<compile_context>
chip_gen: v7x
topology: tpu7x:2x2x1
jax: 0.10.2.dev20260603
libtpu: 0.0.44.dev20260713+nightly
codegen_flags: <defaults>
</compile_context>

<pallas_src>
import functools

import jax
import jax.numpy as jnp
from jax import lax
from jax.experimental import pallas as pl
from jax.experimental.pallas import tpu as pltpu
from jax.experimental.pallas import tpu_sc as plsc

D = 128
BATCH = 4
SEQ = 2048
N_TOK = BATCH * SEQ
NC = 2
NS = 16
NW = NC * NS
PER_W = N_TOK // NW
W_PER_ROW = SEQ // PER_W

_mesh = plsc.VectorSubcoreMesh(core_axis_name="c", subcore_axis_name="s")


@functools.partial(
    pl.kernel,
    out_type=jax.ShapeDtypeStruct((N_TOK, D), jnp.float32),
    mesh=_mesh,
    scratch_types=[
        pltpu.VMEM((PER_W,), jnp.int32),
        pltpu.VMEM((PER_W,), jnp.int32),
        pltpu.VMEM((PER_W, D), jnp.float32),
        pltpu.SemaphoreType.DMA,
        pltpu.SemaphoreType.DMA,
        pltpu.SemaphoreType.DMA,
    ],
)
def _embed(ids_hbm, pos_hbm, wte_hbm, wpe_hbm, out_hbm,
           ti_v, pi_v, a, si0, si1, sg):
    wid = lax.axis_index("s") * NC + lax.axis_index("c")
    brow = wid // W_PER_ROW
    s0 = (wid % W_PER_ROW) * PER_W
    ci0 = pltpu.async_copy(ids_hbm.at[brow, pl.ds(s0, PER_W)], ti_v, si0)
    ci1 = pltpu.async_copy(pos_hbm.at[brow, pl.ds(s0, PER_W)], pi_v, si1)
    ci0.wait()
    ga = pltpu.async_copy(wte_hbm.at[ti_v], a, sg)
    ci1.wait()
    ga.wait()
    gb = pltpu.async_copy(wpe_hbm.at[pi_v], a, sg, add=True)
    gb.wait()
    co = pltpu.async_copy(a, out_hbm.at[pl.ds(wid * PER_W, PER_W)], sg)
    co.wait()


def kernel(input_ids, position_ids, wte, wpe):
    out = _embed(input_ids.astype(jnp.int32), position_ids.astype(jnp.int32),
                 wte, wpe)
    return out.reshape(input_ids.shape + (wte.shape[1],))

# --- scband reference (transcript-rebuilt; emitter-appended) ---
"""Pipeline reference for scband-vocab-position-embedding-91139206021696 (READ-ONLY COPY).

The authoritative reference and input builder live on the scoring server;
editing this copy changes nothing except your own understanding.
"""

import jax, jax.numpy as jnp
import numpy as np

VOCAB_SIZE = 100000
N_POSITIONS = 2048
HIDDEN_DIM = 128
BATCH = 4
SEQ_LEN = 2048


def setup_inputs(seed: int = 0) -> dict:
    key = jax.random.key(seed)
    k1, k2, k3, k4 = jax.random.split(key, 4)
    input_ids = jax.random.randint(k1, (BATCH, SEQ_LEN), 0, VOCAB_SIZE, dtype=jnp.int64 if jax.config.jax_enable_x64 else jnp.int32)
    position_ids = jax.random.randint(k2, (BATCH, SEQ_LEN), 0, N_POSITIONS, dtype=jnp.int64 if jax.config.jax_enable_x64 else jnp.int32)
    wte = jax.random.normal(k3, (VOCAB_SIZE, HIDDEN_DIM), dtype=jnp.float32) * 0.02
    wpe = jax.random.normal(k4, (N_POSITIONS, HIDDEN_DIM), dtype=jnp.float32) * 0.02
    return {"input_ids": input_ids, "position_ids": position_ids, "wte": wte, "wpe": wpe}


def reference(input_ids, position_ids, wte, wpe):
    # Embedding lookups (gather) map to SparseCore
    inputs_embeds = jnp.take(wte, input_ids, axis=0)
    position_embeds = jnp.take(wpe, position_ids, axis=0)
    hidden_states = inputs_embeds + position_embeds
    return hidden_states

if __name__ == "__main__":
    import jax
    _d = setup_inputs()
    print(jax.jit(kernel)(*tuple(_d.values())))

</pallas_src>

<mosaic_0001>
#map = affine_map<(d0, d1) -> (0, 0)>
module attributes {stable_mosaic.version = 14 : i64} {
  func.func @_embed(%arg0: i32, %arg1: i32, %arg2: memref<4x2048xi32, #tpu.memory_space<hbm>>, %arg3: memref<4x2048xi32, #tpu.memory_space<hbm>>, %arg4: memref<100000x128xf32, #tpu.memory_space<hbm>>, %arg5: memref<2048x128xf32, #tpu.memory_space<hbm>>, %arg6: memref<8192x128xf32, #tpu.memory_space<hbm>>, %arg7: memref<256xi32, #tpu.memory_space<vmem>>, %arg8: memref<256xi32, #tpu.memory_space<vmem>>, %arg9: memref<256x128xf32, #tpu.memory_space<vmem>>, %arg10: memref<!tpu.dma_semaphore, #tpu.memory_space<semaphore_mem>>, %arg11: memref<!tpu.dma_semaphore, #tpu.memory_space<semaphore_mem>>, %arg12: memref<!tpu.dma_semaphore, #tpu.memory_space<semaphore_mem>>) attributes {dimension_semantics = [#tpu.dimension_semantics<core_parallel>, #tpu.dimension_semantics<subcore_parallel>], iteration_bounds = array<i64: 2, 16>, scalar_prefetch = 0 : i64, scratch_operands = 6 : i64, tpu.core_type = #tpu.core_type<sc_vector_subcore>, window_params = [{transform_indices = #map}, {transform_indices = #map}, {transform_indices = #map}, {transform_indices = #map}, {transform_indices = #map}]} {
    %mul3A = arith.constant 2 : i32
    %mul3A_0 = arith.muli %arg1, %mul3A : i32
    %add3A = arith.addi %mul3A_0, %arg0 : i32
    %jit3A = arith.constant 8 : i32
    %div3A = arith.divsi %add3A, %jit3A : i32
    %sign3A = arith.constant 0 : i32
    %sign3A_1 = arith.cmpi sgt, %add3A, %sign3A : i32
    %sign3A_2 = arith.extui %sign3A_1 : i1 to i32
    %sign3A_3 = arith.constant 0 : i32
    %sign3A_4 = arith.cmpi slt, %add3A, %sign3A_3 : i32
    %sign3A_5 = arith.extui %sign3A_4 : i1 to i32
    %sign3A_6 = arith.subi %sign3A_2, %sign3A_5 : i32
    %sign3A_7 = arith.constant 0 : i32
    %sign3A_8 = arith.cmpi sgt, %jit3A, %sign3A_7 : i32
    %sign3A_9 = arith.extui %sign3A_8 : i1 to i32
    %sign3A_10 = arith.constant 0 : i32
    %sign3A_11 = arith.cmpi slt, %jit3A, %sign3A_10 : i32
    %sign3A_12 = arith.extui %sign3A_11 : i1 to i32
    %sign3A_13 = arith.subi %sign3A_9, %sign3A_12 : i32
    %ne3A = arith.cmpi ne, %sign3A_6, %sign3A_13 : i32
    %rem3A = arith.remsi %add3A, %jit3A : i32
    %ne3A_14 = arith.constant 0 : i32
    %ne3A_15 = arith.cmpi ne, %rem3A, %ne3A_14 : i32
    %and3A = arith.andi %ne3A, %ne3A_15 : i1
    %sub3A = arith.constant 1 : i32
    %sub3A_16 = arith.subi %div3A, %sub3A : i32
    %select_n3A = arith.select %and3A, %sub3A_16, %div3A : i32
    %jit3A_17 = arith.constant 8 : i32
    %eq3A = arith.constant 0 : i32
    %eq3A_18 = arith.cmpi eq, %jit3A_17, %eq3A : i32
    %jit3A_19 = arith.constant 1 : i32
    %select_n3A_20 = arith.select %eq3A_18, %jit3A_19, %jit3A_17 : i32
    %rem3A_21 = arith.remsi %add3A, %select_n3A_20 : i32
    %ne3A_22 = arith.constant 0 : i32
    %ne3A_23 = arith.cmpi ne, %rem3A_21, %ne3A_22 : i32
    %lt3A = arith.constant 0 : i32
    %lt3A_24 = arith.cmpi slt, %rem3A_21, %lt3A : i32
    %lt3A_25 = arith.constant 0 : i32
    %lt3A_26 = arith.cmpi slt, %select_n3A_20, %lt3A_25 : i32
    %ne3A_27 = arith.xori %lt3A_24, %lt3A_26 : i1
    %and3A_28 = arith.andi %ne3A_27, %ne3A_23 : i1
    %add3A_29 = arith.addi %rem3A_21, %select_n3A_20 : i32
    %select_n3A_30 = arith.select %and3A_28, %add3A_29, %rem3A_21 : i32
    %mul3A_31 = arith.constant 256 : i32
    %mul3A_32 = arith.muli %select_n3A_30, %mul3A_31 : i32
    %dma_start3A = tpu.memref_slice %arg2[%select_n3A, %mul3A_32] : memref<4x2048xi32, #tpu.memory_space<hbm>> -> memref<1x256xi32, #tpu.memory_space<hbm>>
    %dma_start3A_33 = tpu.memref_squeeze %dma_start3A : memref<1x256xi32, #tpu.memory_space<hbm>> -> memref<256xi32, #tpu.memory_space<hbm>>
    %dma_start3A_34 = tpu.memref_slice %arg2[%select_n3A, %mul3A_32] : memref<4x2048xi32, #tpu.memory_space<hbm>> -> memref<1x256xi32, #tpu.memory_space<hbm>>
    %dma_start3A_35 = tpu.memref_squeeze %dma_start3A_34 : memref<1x256xi32, #tpu.memory_space<hbm>> -> memref<256xi32, #tpu.memory_space<hbm>>
    tpu.enqueue_dma source(%dma_start3A_35 : memref<256xi32, #tpu.memory_space<hbm>>) target(%arg7 : memref<256xi32, #tpu.memory_space<vmem>>) target_semaphore(%arg10 : memref<!tpu.dma_semaphore, #tpu.memory_space<semaphore_mem>>)
    %dma_start3A_36 = tpu.memref_slice %arg3[%select_n3A, %mul3A_32] : memref<4x2048xi32, #tpu.memory_space<hbm>> -> memref<1x256xi32, #tpu.memory_space<hbm>>
    %dma_start3A_37 = tpu.memref_squeeze %dma_start3A_36 : memref<1x256xi32, #tpu.memory_space<hbm>> -> memref<256xi32, #tpu.memory_space<hbm>>
    %dma_start3A_38 = tpu.memref_slice %arg3[%select_n3A, %mul3A_32] : memref<4x2048xi32, #tpu.memory_space<hbm>> -> memref<1x256xi32, #tpu.memory_space<hbm>>
    %dma_start3A_39 = tpu.memref_squeeze %dma_start3A_38 : memref<1x256xi32, #tpu.memory_space<hbm>> -> memref<256xi32, #tpu.memory_space<hbm>>
    tpu.enqueue_dma source(%dma_start3A_39 : memref<256xi32, #tpu.memory_space<hbm>>) target(%arg8 : memref<256xi32, #tpu.memory_space<vmem>>) target_semaphore(%arg11 : memref<!tpu.dma_semaphore, #tpu.memory_space<semaphore_mem>>)
    %dma_wait3A = tpu.memref_slice %arg2[%select_n3A, %mul3A_32] : memref<4x2048xi32, #tpu.memory_space<hbm>> -> memref<1x256xi32, #tpu.memory_space<hbm>>
    %dma_wait3A_40 = tpu.memref_squeeze %dma_wait3A : memref<1x256xi32, #tpu.memory_space<hbm>> -> memref<256xi32, #tpu.memory_space<hbm>>
    %dma_wait3A_41 = tpu.memref_slice %arg2[%select_n3A, %mul3A_32] : memref<4x2048xi32, #tpu.memory_space<hbm>> -> memref<1x256xi32, #tpu.memory_space<hbm>>
    %dma_wait3A_42 = tpu.memref_squeeze %dma_wait3A_41 : memref<1x256xi32, #tpu.memory_space<hbm>> -> memref<256xi32, #tpu.memory_space<hbm>>
    tpu.wait_dma2 semaphore(%arg10 : memref<!tpu.dma_semaphore, #tpu.memory_space<semaphore_mem>>) src(%dma_wait3A_42 : memref<256xi32, #tpu.memory_space<hbm>>) dst(%arg7 : memref<256xi32, #tpu.memory_space<vmem>>)
    %dma_start3A_43 = arith.constant 0 : i32
    %dma_start3A_44 = arith.constant 0 : i32
    %dma_start3A_45 = tpu.memref_slice %arg4[%dma_start3A_43, %dma_start3A_44] : memref<100000x128xf32, #tpu.memory_space<hbm>> -> memref<100000x128xf32, #tpu.memory_space<hbm>>
    tpu.enqueue_indirect_dma source(%dma_start3A_45 : memref<100000x128xf32, #tpu.memory_space<hbm>>) target(%arg9 : memref<256x128xf32, #tpu.memory_space<vmem>>) offsets(%arg7 : memref<256xi32, #tpu.memory_space<vmem>>) semaphore(%arg12 : memref<!tpu.dma_semaphore, #tpu.memory_space<semaphore_mem>>)
    %dma_wait3A_46 = tpu.memref_slice %arg3[%select_n3A, %mul3A_32] : memref<4x2048xi32, #tpu.memory_space<hbm>> -> memref<1x256xi32, #tpu.memory_space<hbm>>
    %dma_wait3A_47 = tpu.memref_squeeze %dma_wait3A_46 : memref<1x256xi32, #tpu.memory_space<hbm>> -> memref<256xi32, #tpu.memory_space<hbm>>
    %dma_wait3A_48 = tpu.memref_slice %arg3[%select_n3A, %mul3A_32] : memref<4x2048xi32, #tpu.memory_space<hbm>> -> memref<1x256xi32, #tpu.memory_space<hbm>>
    %dma_wait3A_49 = tpu.memref_squeeze %dma_wait3A_48 : memref<1x256xi32, #tpu.memory_space<hbm>> -> memref<256xi32, #tpu.memory_space<hbm>>
    tpu.wait_dma2 semaphore(%arg11 : memref<!tpu.dma_semaphore, #tpu.memory_space<semaphore_mem>>) src(%dma_wait3A_49 : memref<256xi32, #tpu.memory_space<hbm>>) dst(%arg8 : memref<256xi32, #tpu.memory_space<vmem>>)
    %dma_wait3A_50 = arith.constant 0 : i32
    %dma_wait3A_51 = arith.constant 0 : i32
    %dma_wait3A_52 = tpu.memref_slice %arg4[%dma_wait3A_50, %dma_wait3A_51] : memref<100000x128xf32, #tpu.memory_space<hbm>> -> memref<100000x128xf32, #tpu.memory_space<hbm>>
    tpu.wait_indirect_dma semaphore(%arg12 : memref<!tpu.dma_semaphore, #tpu.memory_space<semaphore_mem>>) src(%dma_wait3A_52 : memref<100000x128xf32, #tpu.memory_space<hbm>>) dst(%arg9 : memref<256x128xf32, #tpu.memory_space<vmem>>)
    %dma_start3A_53 = arith.constant 0 : i32
    %dma_start3A_54 = arith.constant 0 : i32
    %dma_start3A_55 = tpu.memref_slice %arg5[%dma_start3A_53, %dma_start3A_54] : memref<2048x128xf32, #tpu.memory_space<hbm>> -> memref<2048x128xf32, #tpu.memory_space<hbm>>
    tpu.enqueue_indirect_dma source(%dma_start3A_55 : memref<2048x128xf32, #tpu.memory_space<hbm>>) target(%arg9 : memref<256x128xf32, #tpu.memory_space<vmem>>) offsets(%arg8 : memref<256xi32, #tpu.memory_space<vmem>>) semaphore(%arg12 : memref<!tpu.dma_semaphore, #tpu.memory_space<semaphore_mem>>) {add = true}
    %dma_wait3A_56 = arith.constant 0 : i32
    %dma_wait3A_57 = arith.constant 0 : i32
    %dma_wait3A_58 = tpu.memref_slice %arg5[%dma_wait3A_56, %dma_wait3A_57] : memref<2048x128xf32, #tpu.memory_space<hbm>> -> memref<2048x128xf32, #tpu.memory_space<hbm>>
    tpu.wait_indirect_dma semaphore(%arg12 : memref<!tpu.dma_semaphore, #tpu.memory_space<semaphore_mem>>) src(%dma_wait3A_58 : memref<2048x128xf32, #tpu.memory_space<hbm>>) dst(%arg9 : memref<256x128xf32, #tpu.memory_space<vmem>>)
    %mul3A_59 = arith.constant 256 : i32
    %mul3A_60 = arith.muli %add3A, %mul3A_59 : i32
    %dma_start3A_61 = arith.constant 0 : i32
    %dma_start3A_62 = tpu.memref_slice %arg6[%mul3A_60, %dma_start3A_61] : memref<8192x128xf32, #tpu.memory_space<hbm>> -> memref<256x128xf32, #tpu.memory_space<hbm>>
    %dma_start3A_63 = arith.constant 0 : i32
    %dma_start3A_64 = tpu.memref_slice %arg6[%mul3A_60, %dma_start3A_63] : memref<8192x128xf32, #tpu.memory_space<hbm>> -> memref<256x128xf32, #tpu.memory_space<hbm>>
    tpu.enqueue_dma source(%arg9 : memref<256x128xf32, #tpu.memory_space<vmem>>) target(%dma_start3A_64 : memref<256x128xf32, #tpu.memory_space<hbm>>) target_semaphore(%arg12 : memref<!tpu.dma_semaphore, #tpu.memory_space<semaphore_mem>>)
    %dma_wait3A_65 = arith.constant 0 : i32
    %dma_wait3A_66 = tpu.memref_slice %arg6[%mul3A_60, %dma_wait3A_65] : memref<8192x128xf32, #tpu.memory_space<hbm>> -> memref<256x128xf32, #tpu.memory_space<hbm>>
    %dma_wait3A_67 = arith.constant 0 : i32
    %dma_wait3A_68 = tpu.memref_slice %arg6[%mul3A_60, %dma_wait3A_67] : memref<8192x128xf32, #tpu.memory_space<hbm>> -> memref<256x128xf32, #tpu.memory_space<hbm>>
    tpu.wait_dma2 semaphore(%arg12 : memref<!tpu.dma_semaphore, #tpu.memory_space<semaphore_mem>>) src(%arg9 : memref<256x128xf32, #tpu.memory_space<vmem>>) dst(%dma_wait3A_68 : memref<256x128xf32, #tpu.memory_space<hbm>>)
    return
  }
}

</mosaic_0001>

<sc_bundles>
// kernel: kernel.3.cloned.1.call-start
scs
__scs_entry_jumppad:
0x0: {  	(pc) =	sbr.rel $0x88, $3  }
0x1: {  	(tag) =	ssettag $0x0;
	lr =	simm.s32 $0x1  }
0x2: {  	[smem:$0x3F9D] =	sst lr;
	_ =	strace $0xD0000000  }
0x3: {  	_ = 	snop  }
0x4: {  	_ = 	snop  }
0x5: {  	_ = 	snop  }
0x6: {  	_ = 	snop  }
0x7: {  	_ = 	snop  }
__scs_overlays_trampoline_lowered:
0x8: {  	[smem:$0x3FAC] =	sst s0  }
0x9: {  	[smem:$0x3FAD] =	sst s1  }
0xa: {  	[smem:$0x3FAE] =	sst s2  }
0xb: {  	[smem:$0x3FAF] =	sst s3  }
0xc: {  	[smem:$0x3FB0] =	sst s4  }
0xd: {  	[smem:$0x3FB1] =	sst s5  }
0xe: {  	[smem:$0x3FB2] =	sst s6  }
0xf: {  	[smem:$0x3FB3] =	sst s7  }
0x10: {  	[smem:$0x3FB4] =	sst s8  }
0x11: {  	[smem:$0x3FB5] =	sst s9;
	s0 =	simm.s32 @!p0 $0x0  }
0x12: {  	s1 =	sld [smem:$0x3F9B];
	s0 =	simm.s32 @p0 $0x1  }
0x13: {  	[smem:$0x3FB6] =	sst s0;
	s0 =	simm.s32 @!p1 $0x0  }
0x14: {  	s2 =	sld [smem:$0x3F9A];
	s0 =	simm.s32 @p1 $0x1  }
0x15: {  	[smem:$0x3FB7] =	sst s0;
	s0 =	simm.s32 @!p2 $0x0  }
0x16: {  	s3 =	sld [smem:$0x3FDB];
	s0 =	simm.s32 @p2 $0x1  }
0x17: {  	s4 =	simm.s32 $0x1BF5;
	[smem:$0x3FB9] =	sst s0  }
0x18: {  	s0 =	sld [smem:$0x3F9C];
	_ =	swait.ge [sflag:s4], $0x0  }
0x19: {  	s7 =	sld [smem:$0x3F9D]  }
0x1a: {  	s8 =	sadd.s32 $0xFFFFE003, lr  }
0x1b: {  	s9 =	sadd.s32 $0xFFFFFEF7, lr;
	s5 =	simm.s32 $0xFFFFFFFF;
	p2 =	slt.u32 s8, $0xFFFFF086  }
0x1c: {  	p1 =	slt.u32 s9, $0xF7A;
	s5 =	simm.s32 @!p2 $0x0  }
0x1d: {  	s5 =	simm.s32 @p1 $0x1;
	p0 =	seq.s32 s7, s2  }
0x1e: {  	s7 =	smul.u32 @!p0 $0xF7A, s2;
	p2 =	seq.s32 @!p0 s5, $0x0  }
0x1f: {  	s9 =	smul.u32 $0xF7A, s1;
	s8 =	simm.s32 @!p0 $0x1BF5;
	p2 =	por !p2, p0  }
0x20: {  	[sflag:s8] =	ssyncset.s32 @!p0 $0xFFFFF086;
	s6 =	sadd.s32 @!p0 s3, s7;
	s7 =	simm.s32 @!p0 $0x108  }
0x21: {  	s3 =	sadd.s32 s3, s9;
	s6 =	sadd.s32 @!p0 $0x88, s6;
	s7 =	simm.s32 @p2 $0x1082  }
0x22: {  	[simem:s7], [sflag:s8] =	dma.local @!p0 [hbm:s6], $0xF7A  }
0x23: {  	s9 =	sor.u32 $0xD0000000, s2;
	s6 =	simm.s32 $0x108;
	_ =	swait.ge @!p0 [sflag:s8], $0x0  }
0x24: {  	s3 =	sadd.s32 $0x88, s3;
	s6 =	simm.s32 @!p1 $0x1082;
	[sflag:s4] =	ssyncset.s32 $0xFFFFF086  }
0x25: {  	[simem:s6], [sflag:s4] =	dma.local [hbm:s3], $0xF7A  }
0x26: {  	[smem:$0x3F9D] =	sst s1;
	(tag) =	ssettag s2;
	_ =	strace s9  }
0x27: {  	s1 =	sld [smem:$0x3FAD]  }
0x28: {  	s2 =	sld [smem:$0x3FAE]  }
0x29: {  	s4 =	sld [smem:$0x3FB0]  }
0x2a: {  	p0 =	seq.s32 s5, $0x0;
	s5 =	sld [smem:$0x3FB1]  }
0x2b: {  	s6 =	sld [smem:$0x3FB2]  }
0x2c: {  	s7 =	sld [smem:$0x3FB3]  }
0x2d: {  	s3 =	simm.s32 $0x108;
	s8 =	sld [smem:$0x3FB4]  }
0x2e: {  	s3 =	simm.s32 @!p0 $0x1082;
	s9 =	sld [smem:$0x3FB5]  }
0x2f: {  	lr =	sadd.s32 s0, s3;
	s0 =	sld [smem:$0x3FAC]  }
0x30: {  	s3 =	sld [smem:$0x3FAF]  }
0x31: {  	[smem:$0x3FB8] =	sst s10  }
0x32: {  	s10 =	sld [smem:$0x3FB6];
	_ =	sdelay $0x3  }
0x33: {  	p0 =	seq.s32 s10, $0x1;
	s10 =	sld [smem:$0x3FB8];
	_ =	sdelay $0x3  }
0x34: {  	[smem:$0x3FB8] =	sst s10  }
0x35: {  	s10 =	sld [smem:$0x3FB7];
	_ =	sdelay $0x3  }
0x36: {  	p1 =	seq.s32 s10, $0x1;
	s10 =	sld [smem:$0x3FB8];
	_ =	sdelay $0x3  }
0x37: {  	[smem:$0x3FB8] =	sst s10  }
0x38: {  	s10 =	sld [smem:$0x3FB9]  }
0x39: {  	_ = 	snop;
	(pc) =	sbr.ind lr, $3  }
0x3a: {  	_ = 	snop  }
0x3b: {  	_ = 	snop  }
0x3c: {  	p2 =	seq.s32 s10, $0x1;
	s10 =	sld [smem:$0x3FB8]  }
0x3d: {  	_ =	shalt  }
0x3e: {  	_ =	shalt  }
0x3f: {  	_ =	shalt  }
0x40: {  	_ =	shalt  }
0x41: {  	_ =	shalt  }
0x42: {  	_ =	shalt  }
0x43: {  	_ =	shalt  }
0x44: {  	_ =	shalt  }
0x45: {  	_ =	shalt  }
0x46: {  	_ =	shalt  }
0x47: {  	_ =	shalt  }
0x48: {  	_ =	shalt  }
0x49: {  	_ =	shalt  }
0x4a: {  	_ =	shalt  }
0x4b: {  	_ =	shalt  }
0x4c: {  	_ =	shalt  }
0x4d: {  	_ =	shalt  }
0x4e: {  	_ =	shalt  }
0x4f: {  	_ =	shalt  }
0x50: {  	_ =	shalt  }
0x51: {  	_ =	shalt  }
0x52: {  	_ =	shalt  }
0x53: {  	_ =	shalt  }
0x54: {  	_ =	shalt  }
0x55: {  	_ =	shalt  }
0x56: {  	_ =	shalt  }
0x57: {  	_ =	shalt  }
0x58: {  	_ =	shalt  }
0x59: {  	_ =	shalt  }
0x5a: {  	_ =	shalt  }
0x5b: {  	_ =	shalt  }
0x5c: {  	_ =	shalt  }
0x5d: {  	_ =	shalt  }
0x5e: {  	_ =	shalt  }
0x5f: {  	_ =	shalt  }
0x60: {  	_ =	shalt  }
0x61: {  	_ =	shalt  }
0x62: {  	_ =	shalt  }
0x63: {  	_ =	shalt  }
0x64: {  	_ =	shalt  }
0x65: {  	_ =	shalt  }
0x66: {  	_ =	shalt  }
0x67: {  	_ =	shalt  }
0x68: {  	_ =	shalt  }
0x69: {  	_ =	shalt  }
0x6a: {  	_ =	shalt  }
0x6b: {  	_ =	shalt  }
0x6c: {  	_ =	shalt  }
0x6d: {  	_ =	shalt  }
0x6e: {  	_ =	shalt  }
0x6f: {  	_ =	shalt  }
0x70: {  	_ =	shalt  }
0x71: {  	_ =	shalt  }
0x72: {  	_ =	shalt  }
0x73: {  	_ =	shalt  }
0x74: {  	_ =	shalt  }
0x75: {  	_ =	shalt  }
0x76: {  	_ =	shalt  }
0x77: {  	_ =	shalt  }
0x78: {  	_ =	shalt  }
0x79: {  	_ =	shalt  }
0x7a: {  	_ =	shalt  }
0x7b: {  	_ =	shalt  }
0x7c: {  	_ =	shalt  }
0x7d: {  	_ =	shalt  }
0x7e: {  	_ =	shalt  }
0x7f: {  	_ =	shalt  }
0x80: {  	_ =	shalt  }
0x81: {  	_ =	shalt  }
0x82: {  	_ =	shalt  }
0x83: {  	_ =	shalt  }
0x84: {  	_ =	shalt  }
0x85: {  	_ =	shalt  }
0x86: {  	_ =	shalt  }
0x87: {  	_ =	shalt  }
.Lfunc_end0:
.L_simem_size_0:
called_computation_lowered:
.L_overlay_start_0:
0x88: {  	s2 =	sld [smem:$0x3FD9]  }
0x89: {  	s3 =	sld [smem:$0x3FFE];
	_ =	sdelay $0x1  }
0x8a: {  	s1 =	srdreg.scid  }
0x8b: {  	s0 =	sand.u32 $0x1, s1  }
0x8c: {  	s18 =	sshll.u32 s0, $0xA;
	s2 =	sadd.s32 s3, s2  }
0x8d: {  	s2 =	sadd.s32 s2, s18  }
0x8e: {  	[smem:$0x3FC4] =	sst s2  }
0x8f: {  	_ = 	snop  }
0x90: {  	s2 =	sld [smem:$0x3FC9]  }
0x91: {  	s19 =	sld [smem:$0x3FC8]  }
0x92: {  	s4 =	sld [smem:$0x3FC7]  }
0x93: {  	s5 =	sld [smem:$0x3FC6]  }
0x94: {  	s6 =	sld [smem:$0x3FD0];
	(tm) =	ssettm $0x1  }
0x95: {  	s7 =	sld [smem:$0x3FFB];
	_ =	sdelay $0x3  }
0x96: {  	_ =	strace s7  }
0x97: {  	s7 =	sld [smem:$0x3FFC];
	_ =	sdelay $0x3  }
0x98: {  	_ =	strace s7  }
0x99: {  	s7 =	sld [smem:$0x3FFD];
	_ =	sdelay $0x3  }
0x9a: {  	_ =	strace s7  }
0x9b: {  	_ =	strace $0x8FFFFFFF  }
0x9c: {  	s20 =	sld [smem:$0x3FDB];
	_ =	sdelay $0x1  }
0x9d: {  	s8 =	simm.s32 $_scs_section_size  }
0x9e: {  	s9 =	simm.s32 $_size__tile_overlayer_lowered;
	s10 =	simm.s32 $_tile_overlayer_lowered  }
0x9f: {  	s23 =	simm.s32 $0x1BFF;
	s22 =	sshll.u32 s10, $0x1;
	s7 =	sadd.s32 s8, s20  }
0xa0: {  	s11 =	simm.s32 $0x0;
	s21 =	sshll.u32 s9, $0x1;
	s9 =	sadd.s32 s22, s7  }
0xa1: {  	[timem:s11], [sflag:s23] =	dma.local [hbm:s9], s21  }
0xa2: {  	_ =	swait.ge [sflag:s23], s21  }
0xa3: {  	s8 =	ssub.s32 $0x0, s21;
	[sflag:s23] =	ssyncset.done $0x0  }
0xa4: {  	[sflag:s23] =	ssyncadd.s32 s8;
	_ =	sdelay $0x1  }
0xa5: {  	s24 =	simm.s32 $0x1B8B  }
0xa6: {  	_ =	swait.ge [sflag:s24], $0x1  }
0xa7: {  	[sflag:s24] =	ssyncset.done $0x0  }
0xa8: {  	s25 =	simm.s32 $0x1B8E;
	[sflag:s24] =	ssyncadd.s32 $0xFFFFFFFF  }
0xa9: {  	s26 =	simm.s32 $execute0_lowered;
	[smem:$0x3FD2] =	sst s25  }
0xaa: {  	s8 =	sshll.u32 s26, $0x1;
	_ =	strace $0x80000046;
	[dreg:$0x1] =	wrdreg $0xFFFFFFFF  }
0xab: {  	s28 =	simm.s32 $_size_execute0_lowered;
	s7 =	sadd.s32 s7, s8;
	[dreg:$0x0] =	wrdreg $0x0  }
0xac: {  	s8 =	sshll.u32 s28, $0x1;
	[dreg:$0x2] =	wrdreg s7  }
0xad: {  	[dreg:$0x3] =	wrdreg s8  }
0xae: {  	[dreg:$0x4] =	wrdreg $0xC0  }
0xaf: {  	_ =	task [dreg:s11], $0x5FFFF  }
0xb0: {  	[dreg:$0x1] =	wrdreg $0xFFFFFFFF  }
0xb1: {  	[dreg:$0x0] =	wrdreg $0x60  }
0xb2: {  	[dreg:$0x2] =	wrdreg s2  }
0xb3: {  	[dreg:$0x3] =	wrdreg s19  }
0xb4: {  	[dreg:$0x4] =	wrdreg s4  }
0xb5: {  	[dreg:$0x5] =	wrdreg s5  }
0xb6: {  	[dreg:$0x6] =	wrdreg s6  }
0xb7: {  	[dreg:$0x7] =	wrdreg $0x9  }
0xb8: {  	_ =	task.clear_ibuf [dreg:s11], $0x8FFFF;
	_ =	strace $0x90000046  }
0xb9: {  	s29 =	simm.s32 $0x9;
	_ =	strace $0x80000048  }
0xba: {  	_ =	swait.ge [sflag:s29], $0x1  }
0xbb: {  	[sflag:s29] =	ssyncadd.s32 $0xFFFFFFFF  }
0xbc: {  	_ =	strace $0x90000048  }
0xbd: {  	_ =	sfence  }
0xbe: {  	s30 =	sld [smem:$0x0];
	_ =	sdelay $0x2  }
0xbf: {  	s31 =	sshll.u32 s1, $0xD;
	s1 =	sshrl.u32 s1, $0x2  }
0xc0: {  	s3 =	sand.u32 $0x4000, s31;
	s1 =	sadd.s32 s1, s30  }
0xc1: {  	s0 =	sor.u32 s3, s0;
	s1 =	sshll.u32 s1, $0x11  }
0xc2: {  	s0 =	sor.u32 s1, s0  }
0xc3: {  	s0 =	sadd.s32 $0x8F2B, s0  }
0xc4: {  	[sflag:s0] =	ssyncadd.remote.s32 $0x1  }
0xc5: {  	_ =	sfence.sel $0xFFFF  }
0xc6: {  	[dreg:$0x0] =	wrdreg $0xFFFFFFFF;
	(pc) =	sbr.abs _section_cstart, $3  }
0xc7: {  	[dreg:$0x1] =	wrdreg $0xFFFFFFFF  }
0xc8: {  	_ =	task.clear_ibuf [dreg:s11], $0x2FFFF;
	_ =	strace $0x9FFFFFFF  }
0xc9: {  	(tm) =	ssettm $0x7FFFFFFF  }
tec
execute0_lowered:
.L_overlay_start_1:
0x0: {  	(tag) =	ssettag $0x1  }
0x1: {  	s5 =	rddreg [dreg:$0x0]  }
0x2: {  	s8 =	rddreg [dreg:$0x1]  }
0x3: {  	s2 =	rddreg [dreg:$0x2]  }
0x4: {  	s1 =	srdreg.scid;
	s0 =	stileid.u32  }
0x5: {  	s3 =	rddreg [dreg:$0x3];
	s14 =	sand.u32 $0x1, s1;
	s4 =	sshll.u32 s0, $0x1  }
0x6: {  	s13 =	rddreg [dreg:$0x4];
	s15 =	sor.u32 s14, s4  }
0x7: {  	s7 =	sshll.u32 s0, $0x2;
	s4 =	simm.s32 $0x0;
	s6 =	sshll.u32 s15, $0x7  }
0x8: {  	[smem:$0x7FF] =	sst s4;
	s6 =	sor.u32 s7, s6  }
0x9: {  	s1 =	rddreg [dreg:$0x5];
	_ =	strace $0x80000047;
	s9 =	sand.u32 $0x3B0, s6  }
0xa: {  	s7 =	simm.s32 $0x200;
	s6 =	simm.s32 $0x80;
	s5 =	sadd.s32 s5, s9  }
0xb: {  	[tilespmem:s4], [sflag:$0x1] =	stream.strided.gather [hbm4b:s5+s6], $0x100, s7, s6, $0x38;
	[tilespmem:$0x8200] =	vst v63  }
0xc: {  	s10 =	simm.s32 $0x1;
	s8 =	sadd.s32 s8, s9;
	s9 =	simm.s32 $0x100  }
0xd: {  	[tilespmem:s9], [sflag:$0x2] =	stream.strided.gather [hbm4b:s8+s6], $0x100, s7, s6, $0x38;
	[tilespmem:$0x8200] =	vst v63  }
0xe: {  	_ =	swait.ge [sflag:s10], $0x100  }
0xf: {  	[sflag:s10] =	ssyncset.done $0x0  }
0x10: {  	s11 =	simm.s32 $0x2;
	[sflag:s10] =	ssyncadd.s32 $0xFFFFFF00  }
0x11: {  	[tilespmem:s7], [sflag:$0x3] =	stream.indirect.gather [hbm4b:s2+s9], $0x80, s4, s9, $0xb8;
	[tilespmem:$0x8200] =	vst v63  }
0x12: {  	_ =	swait.ge [sflag:s11], $0x100  }
0x13: {  	[sflag:s11] =	ssyncset.done $0x0  }
0x14: {  	s12 =	simm.s32 $0x3;
	s14 =	ssub.s32 $0x2, s14;
	[sflag:s11] =	ssyncadd.s32 $0xFFFFFF00  }
0x15: {  	s16 =	sshrl.u32 s14, $0x1;
	_ =	swait.ge [sflag:s12], $0x8000  }
0x16: {  	s14 =	ssub.s32 s14, s16;
	[sflag:s12] =	ssyncset.done $0x0  }
0x17: {  	s14 =	smax.u32 s14, $0x1;
	[sflag:s12] =	ssyncadd.s32 $0xFFFF8000  }
0x18: {  	[tilespmem:s7], [sflag:$0x3] =	stream.indirect.gather.add.f32 [hbm:s3], $0x80, s9, s9, $0xb8;
	[tilespmem:$0x8200] =	vst v63  }
0x19: {  	p0 =	sne.s32 s14, $0x1;
	_ =	swait.ge [sflag:s12], $0x8000  }
.Ltmp0:
0x1a: {  	s15 =	sshll.u32 s15, $0xC;
	[sflag:s12] =	ssyncset.done $0x0;
	(pc) =	sbr.rel @!p0 .LBB2_2-.Ltmp0, $4  }
0x1b: {  	s13 =	sadd.s32 s13, s15;
	[sflag:s12] =	ssyncadd.s32 $0xFFFF8000  }
0x1c: {  	[hbm4b:s13+s4] =	stream.linear.scatter [tilespmem:s7], [sflag:$0x3], $0x8000, $0x38;
	[tilespmem:$0x8200] =	vst v63  }
0x1d: {  	_ =	swait.ge [sflag:s12], $0x8000  }
0x1e: {  	s14 =	sadd.s32 $0xFFFFFFFF, s14;
	[sflag:s12] =	ssyncset.done $0x0  }
.LBB2_1:
0x1f: {  	p0 =	sne.s32 s14, $0x1;
	s14 =	sadd.s32 $0xFFFFFFFF, s14;
	[sflag:s12] =	ssyncadd.s32 $0xFFFF8000  }
0x20: {  	[tilespmem:s4], [sflag:$0x1] =	stream.strided.gather [hbm4b:s5+s6], $0x100, s7, s6, $0x38;
	[tilespmem:$0x8200] =	vst v63  }
0x21: {  	_ = 	snop  }
0x22: {  	[tilespmem:s9], [sflag:$0x2] =	stream.strided.gather [hbm4b:s8+s6], $0x100, s7, s6, $0x38;
	[tilespmem:$0x8200] =	vst v63  }
0x23: {  	_ =	swait.ge [sflag:s10], $0x100  }
0x24: {  	[sflag:s10] =	ssyncset.done $0x0  }
0x25: {  	[sflag:s10] =	ssyncadd.s32 $0xFFFFFF00  }
0x26: {  	[tilespmem:s7], [sflag:$0x3] =	stream.indirect.gather [hbm4b:s2+s9], $0x80, s4, s9, $0xb8;
	[tilespmem:$0x8200] =	vst v63  }
0x27: {  	_ =	swait.ge [sflag:s11], $0x100  }
0x28: {  	[sflag:s11] =	ssyncset.done $0x0  }
0x29: {  	[sflag:s11] =	ssyncadd.s32 $0xFFFFFF00  }
0x2a: {  	_ =	swait.ge [sflag:s12], $0x8000  }
0x2b: {  	[sflag:s12] =	ssyncset.done $0x0  }
0x2c: {  	[sflag:s12] =	ssyncadd.s32 $0xFFFF8000  }
0x2d: {  	[tilespmem:s7], [sflag:$0x3] =	stream.indirect.gather.add.f32 [hbm:s3], $0x80, s9, s9, $0xb8;
	[tilespmem:$0x8200] =	vst v63  }
0x2e: {  	_ =	swait.ge [sflag:s12], $0x8000  }
.Ltmp1:
0x2f: {  	[sflag:s12] =	ssyncset.done $0x0;
	(pc) =	sbr.rel @p0 .LBB2_1-.Ltmp1, $4  }
0x30: {  	[sflag:s12] =	ssyncadd.s32 $0xFFFF8000  }
0x31: {  	[hbm4b:s13+s4] =	stream.linear.scatter [tilespmem:s7], [sflag:$0x3], $0x8000, $0x38;
	[tilespmem:$0x8200] =	vst v63  }
0x32: {  	_ =	swait.ge [sflag:s12], $0x8000  }
0x33: {  	[sflag:s12] =	ssyncset.done $0x0  }
.LBB2_2:
0x34: {  	[sflag:s12] =	ssyncadd.s32 $0xFFFF8000  }
0x35: {  	_ =	sfence.sel $0x180000  }
0x36: {  	[bflag:$0x0] =	sbarrier.arrive $0xFFFF  }
0x37: {  	p0 =	sne.s32 s0, $0x0;
	_ =	strace $0x90000047  }
0x38: {  	s0 =	sadd.s32 @!p0 $0x100000, s1;
	[bflag:$0x2] =	sbarrier.arrive $0xFFFF  }
0x39: {  	[sflag:s0] =	ssyncadd.tile.s32 @!p0 $0x1;
	_ =	shalt  }
.Lfunc_end2:
_tile_overlayer_lowered:
.L_overlay_start_2:
0x3a: {  	(tag) =	ssettag $0x2  }
0x3b: {  	s0 =	rddreg [dreg:$0x0];
	s2 =	stileid.u32  }
0x3c: {  	s1 =	rddreg [dreg:$0x1];
	p0 =	sne.s32 s2, $0x0  }
0x3d: {  	s3 =	rddreg [dreg:$0x2];
	[bflag:$0x3] =	sbarrier.arrive $0xFFFF;
	s2 =	simm.s32 @!p0 $0x1C04  }
0x3e: {  	[timem:s3], [sflag:s2] =	dma.local @!p0 [hbm:s0], s1  }
0x3f: {  	s0 =	simm.s32 @!p0 $0x4  }
0x40: {  	_ =	swait.ge @!p0 [sflag:s0], s1  }
0x41: {  	s1 =	ssub.s32 @!p0 $0x0, s1;
	[sflag:s0] =	ssyncset.done @!p0 $0x0  }
0x42: {  	[sflag:s0] =	ssyncadd.s32 @!p0 s1  }
0x43: {  	[bflag:$0x3] =	sbarrier.arrive $0xFFFF  }
0x44: {  	_ =	shalt  }

</sc_bundles>
